<compile_context>
chip_gen: v7x
topology: tpu7x:2x2x1
jax: 0.10.2.dev20260603
libtpu: 0.0.44.dev20260713+nightly
codegen_flags: <defaults>
</compile_context>

<pallas_src>
import jax
import jax.numpy as jnp
from jax import lax
from jax.experimental import pallas as pl
from jax.experimental.pallas import tpu as pltpu
from jax.experimental.pallas import tpu_sc as plsc

N_ATOMS = 100000
D = 128
ZMAX = 87

NC = 2
NS = 16
NW = NC * NS

CHUNK = 128
N_CHUNKS = (N_ATOMS + CHUNK - 1) // CHUNK
UNITS = (N_CHUNKS + NW - 1) // NW
IDX_PER_W = UNITS * CHUNK
NBUF = 5


def _table_body(emb_ref, ec_ref, w_ref, out_ref):
    out_ref[...] = emb_ref[...] + lax.dot_general(
        ec_ref[...], w_ref[...],
        dimension_numbers=(((1,), (1,)), ((), ())),
        preferred_element_type=jnp.float32,
    )


def _build_table(element_embedding, W, electron_config):
    return pl.pallas_call(
        _table_body,
        out_shape=jax.ShapeDtypeStruct((ZMAX, D), jnp.float32),
    )(element_embedding, electron_config, W)


def _gather_body(table_hbm, z_hbm, out_hbm, idx_v, rows_v, stage_v, table_sh,
                 gsem, wsem, isem):
    sid = lax.axis_index("s")
    wid = sid * NC + lax.axis_index("c")
    base_w = jnp.minimum(wid * IDX_PER_W, N_ATOMS - IDX_PER_W)
    idx_dma = pltpu.async_copy(z_hbm.at[pl.ds(base_w, IDX_PER_W)], idx_v,
                               isem)

    @pl.when(sid < 10)
    def _():
        pltpu.sync_copy(table_hbm.at[pl.ds(sid * 8, 8)], stage_v)
        pltpu.sync_copy(stage_v, table_sh.at[pl.ds(sid * 8, 8)])

    @pl.when(sid == 10)
    def _():
        pltpu.sync_copy(table_hbm.at[pl.ds(80, 7)], stage_v.at[pl.ds(0, 7)])
        pltpu.sync_copy(stage_v.at[pl.ds(0, 7)], table_sh.at[pl.ds(80, 7)])

    plsc.subcore_barrier()
    idx_dma.wait()

    def issue_gather(u, b):
        pltpu.async_copy(
            table_sh.at[idx_v.at[pl.ds(u * CHUNK, CHUNK)]],
            rows_v.at[b], gsem)

    def wait_gather(b):
        pltpu.make_async_copy(
            out_hbm.at[pl.ds(0, CHUNK)], rows_v.at[b], gsem).wait()

    def issue_write(u, b):
        pltpu.async_copy(
            rows_v.at[b], out_hbm.at[pl.ds(base_w + u * CHUNK, CHUNK)], wsem)

    def wait_write(b):
        pltpu.make_async_copy(
            rows_v.at[b], out_hbm.at[pl.ds(0, CHUNK)], wsem).wait()

    for b in range(NBUF):
        issue_gather(jnp.int32(b), b)

    def body(u, carry):
        b = lax.rem(u, NBUF)
        wait_gather(b)
        issue_write(u, b)

        @pl.when((u >= 1) & (u - 1 + NBUF < UNITS))
        def _():
            bp = lax.rem(u - 1, NBUF)
            wait_write(bp)
            issue_gather(u - 1 + NBUF, bp)

        return carry

    lax.fori_loop(0, UNITS, body, 0)
    for u in range(UNITS - NBUF, UNITS):
        wait_write(u % NBUF)


_gather = pl.kernel(
    _gather_body,
    out_type=jax.ShapeDtypeStruct((N_ATOMS, D), jnp.float32),
    mesh=plsc.VectorSubcoreMesh(core_axis_name="c", subcore_axis_name="s"),
    scratch_types=[
        pltpu.VMEM((IDX_PER_W,), jnp.int32),
        pltpu.VMEM((NBUF, CHUNK, D), jnp.float32),
        pltpu.VMEM((8, D), jnp.float32),
        pltpu.VMEM_SHARED((ZMAX, D), jnp.float32),
        pltpu.SemaphoreType.DMA,
        pltpu.SemaphoreType.DMA,
        pltpu.SemaphoreType.DMA,
    ],
)


def kernel(Z, element_embedding, W, electron_config):
    table = _build_table(element_embedding, W, electron_config)
    if Z.dtype != jnp.int32:
        Z = Z.astype(jnp.int32)
    return _gather(table, Z)

# --- scband reference (transcript-rebuilt; emitter-appended) ---
"""Pipeline reference for scband-embedding-33560874451612 (READ-ONLY COPY).

The authoritative reference and input builder live on the scoring server;
editing this copy changes nothing except your own understanding.
"""

import jax, jax.numpy as jnp
import numpy as np

N_ATOMS = 100000
NUM_FEATURES = 128
ZMAX = 87
CONFIG_DIM = 20  # width of the electron_configurations table


def setup_inputs(seed: int = 0) -> dict:
    key = jax.random.key(seed)
    k1, k2, k3, k4 = jax.random.split(key, 4)
    # Atomic numbers for each atom
    Z = jax.random.randint(k1, (N_ATOMS,), 0, ZMAX, dtype=jnp.int64 if jax.config.jax_enable_x64 else jnp.int32)
    # Learnable element embedding, init uniform(-sqrt(3), sqrt(3)) as in the torch module
    element_embedding = jax.random.uniform(
        k2, (ZMAX, NUM_FEATURES), minval=-np.sqrt(3.0), maxval=np.sqrt(3.0), dtype=jnp.float32
    )
    # config_linear weight (no bias), shape (num_features, config_dim); stand-in for orthogonal init
    W = jax.random.normal(k3, (NUM_FEATURES, CONFIG_DIM), dtype=jnp.float32) * (1.0 / np.sqrt(CONFIG_DIM))
    # electron_config buffer: fixed physical prior table, shape (Zmax, config_dim)
    electron_config = jax.random.uniform(k4, (ZMAX, CONFIG_DIM), dtype=jnp.float32)
    return {
        "Z": Z,
        "element_embedding": element_embedding,
        "W": W,
        "electron_config": electron_config,
    }


def reference(Z, element_embedding, W, electron_config):
    # embedding = element_embedding + config_linear(electron_config)
    embedding = element_embedding + electron_config @ W.T
    # gather per-atom rows: embedding[Z]
    return jnp.take(embedding, Z, axis=0)

if __name__ == "__main__":
    import jax
    _d = setup_inputs()
    print(jax.jit(kernel)(*tuple(_d.values())))

</pallas_src>

<mosaic_0001>
#map = affine_map<(d0, d1) -> (0, 0)>
#map1 = affine_map<(d0, d1) -> (0)>
module attributes {stable_mosaic.version = 14 : i64} {
  func.func @_gather_body(%arg0: i32, %arg1: i32, %arg2: memref<87x128xf32, #tpu.memory_space<hbm>>, %arg3: memref<100000xi32, #tpu.memory_space<hbm>>, %arg4: memref<100000x128xf32, #tpu.memory_space<hbm>>, %arg5: memref<3200xi32, #tpu.memory_space<vmem>>, %arg6: memref<5x128x128xf32, #tpu.memory_space<vmem>>, %arg7: memref<8x128xf32, #tpu.memory_space<vmem>>, %arg8: memref<87x128xf32, #tpu.memory_space<vmem_shared>>, %arg9: memref<!tpu.dma_semaphore, #tpu.memory_space<semaphore_mem>>, %arg10: memref<!tpu.dma_semaphore, #tpu.memory_space<semaphore_mem>>, %arg11: memref<!tpu.dma_semaphore, #tpu.memory_space<semaphore_mem>>) attributes {dimension_semantics = [#tpu.dimension_semantics<core_parallel>, #tpu.dimension_semantics<subcore_parallel>], iteration_bounds = array<i64: 2, 16>, scalar_prefetch = 0 : i64, scratch_operands = 7 : i64, tpu.core_type = #tpu.core_type<sc_vector_subcore>, window_params = [{transform_indices = #map}, {transform_indices = #map1}, {transform_indices = #map}]} {
    %mul3A = arith.constant 2 : i32
    %mul3A_0 = arith.muli %arg1, %mul3A : i32
    %add3A = arith.addi %mul3A_0, %arg0 : i32
    %mul3A_1 = arith.constant 3200 : i32
    %mul3A_2 = arith.muli %add3A, %mul3A_1 : i32
    %min3A = arith.constant 96800 : i32
    %min3A_3 = arith.minsi %mul3A_2, %min3A : i32
    %dma_start3A = tpu.memref_slice %arg3[%min3A_3] : memref<100000xi32, #tpu.memory_space<hbm>> -> memref<3200xi32, #tpu.memory_space<hbm>>
    %dma_start3A_4 = tpu.memref_slice %arg3[%min3A_3] : memref<100000xi32, #tpu.memory_space<hbm>> -> memref<3200xi32, #tpu.memory_space<hbm>>
    tpu.enqueue_dma source(%dma_start3A_4 : memref<3200xi32, #tpu.memory_space<hbm>>) target(%arg5 : memref<3200xi32, #tpu.memory_space<vmem>>) target_semaphore(%arg11 : memref<!tpu.dma_semaphore, #tpu.memory_space<semaphore_mem>>)
    %lt3A = arith.constant 10 : i32
    %lt3A_5 = arith.cmpi slt, %arg1, %lt3A : i32
    %convert_element_type3A = arith.extui %lt3A_5 : i1 to i32
    %cond3A = arith.constant 0 : i32
    %cond3A_6 = arith.cmpi ne, %convert_element_type3A, %cond3A : i32
    scf.if %cond3A_6 {
      %mul3A_152 = arith.constant 8 : i32
      %mul3A_153 = arith.muli %arg1, %mul3A_152 : i32
      "tpu.region"() ({
        %run_scoped3A = tpu.sem_alloc : memref<!tpu.dma_semaphore, #tpu.memory_space<semaphore_mem>>
        %dma_start3A_156 = arith.constant 0 : i32
        %dma_start3A_157 = tpu.memref_slice %arg2[%mul3A_153, %dma_start3A_156] : memref<87x128xf32, #tpu.memory_space<hbm>> -> memref<8x128xf32, #tpu.memory_space<hbm>>
        %dma_start3A_158 = arith.constant 0 : i32
        %dma_start3A_159 = tpu.memref_slice %arg2[%mul3A_153, %dma_start3A_158] : memref<87x128xf32, #tpu.memory_space<hbm>> -> memref<8x128xf32, #tpu.memory_space<hbm>>
        tpu.enqueue_dma source(%dma_start3A_159 : memref<8x128xf32, #tpu.memory_space<hbm>>) target(%arg7 : memref<8x128xf32, #tpu.memory_space<vmem>>) target_semaphore(%run_scoped3A : memref<!tpu.dma_semaphore, #tpu.memory_space<semaphore_mem>>)
        %dma_wait3A_160 = arith.constant 0 : i32
        %dma_wait3A_161 = tpu.memref_slice %arg2[%mul3A_153, %dma_wait3A_160] : memref<87x128xf32, #tpu.memory_space<hbm>> -> memref<8x128xf32, #tpu.memory_space<hbm>>
        %dma_wait3A_162 = arith.constant 0 : i32
        %dma_wait3A_163 = tpu.memref_slice %arg2[%mul3A_153, %dma_wait3A_162] : memref<87x128xf32, #tpu.memory_space<hbm>> -> memref<8x128xf32, #tpu.memory_space<hbm>>
        tpu.wait_dma2 semaphore(%run_scoped3A : memref<!tpu.dma_semaphore, #tpu.memory_space<semaphore_mem>>) src(%dma_wait3A_163 : memref<8x128xf32, #tpu.memory_space<hbm>>) dst(%arg7 : memref<8x128xf32, #tpu.memory_space<vmem>>)
        tpu.yield
      }) : () -> ()
      %mul3A_154 = arith.constant 8 : i32
      %mul3A_155 = arith.muli %arg1, %mul3A_154 : i32
      "tpu.region"() ({
        %run_scoped3A = tpu.sem_alloc : memref<!tpu.dma_semaphore, #tpu.memory_space<semaphore_mem>>
        %dma_start3A_156 = arith.constant 0 : i32
        %dma_start3A_157 = tpu.memref_slice %arg8[%mul3A_155, %dma_start3A_156] : memref<87x128xf32, #tpu.memory_space<vmem_shared>> -> memref<8x128xf32, #tpu.memory_space<vmem_shared>>
        %dma_start3A_158 = arith.constant 0 : i32
        %dma_start3A_159 = tpu.memref_slice %arg8[%mul3A_155, %dma_start3A_158] : memref<87x128xf32, #tpu.memory_space<vmem_shared>> -> memref<8x128xf32, #tpu.memory_space<vmem_shared>>
        tpu.enqueue_dma source(%arg7 : memref<8x128xf32, #tpu.memory_space<vmem>>) target(%dma_start3A_159 : memref<8x128xf32, #tpu.memory_space<vmem_shared>>) target_semaphore(%run_scoped3A : memref<!tpu.dma_semaphore, #tpu.memory_space<semaphore_mem>>)
        %dma_wait3A_160 = arith.constant 0 : i32
        %dma_wait3A_161 = tpu.memref_slice %arg8[%mul3A_155, %dma_wait3A_160] : memref<87x128xf32, #tpu.memory_space<vmem_shared>> -> memref<8x128xf32, #tpu.memory_space<vmem_shared>>
        %dma_wait3A_162 = arith.constant 0 : i32
        %dma_wait3A_163 = tpu.memref_slice %arg8[%mul3A_155, %dma_wait3A_162] : memref<87x128xf32, #tpu.memory_space<vmem_shared>> -> memref<8x128xf32, #tpu.memory_space<vmem_shared>>
        tpu.wait_dma2 semaphore(%run_scoped3A : memref<!tpu.dma_semaphore, #tpu.memory_space<semaphore_mem>>) src(%arg7 : memref<8x128xf32, #tpu.memory_space<vmem>>) dst(%dma_wait3A_163 : memref<8x128xf32, #tpu.memory_space<vmem_shared>>)
        tpu.yield
      }) : () -> ()
    } else {
    }
    %eq3A = arith.constant 10 : i32
    %eq3A_7 = arith.cmpi eq, %arg1, %eq3A : i32
    %convert_element_type3A_8 = arith.extui %eq3A_7 : i1 to i32
    %cond3A_9 = arith.constant 0 : i32
    %cond3A_10 = arith.cmpi ne, %convert_element_type3A_8, %cond3A_9 : i32
    scf.if %cond3A_10 {
      "tpu.region"() ({
        %run_scoped3A = tpu.sem_alloc : memref<!tpu.dma_semaphore, #tpu.memory_space<semaphore_mem>>
        %dma_start3A_152 = arith.constant 0 : i32
        %dma_start3A_153 = arith.constant 0 : i32
        %dma_start3A_154 = tpu.memref_slice %arg7[%dma_start3A_152, %dma_start3A_153] : memref<8x128xf32, #tpu.memory_space<vmem>> -> memref<7x128xf32, #tpu.memory_space<vmem>>
        %dma_start3A_155 = arith.constant 80 : i32
        %dma_start3A_156 = arith.constant 0 : i32
        %dma_start3A_157 = tpu.memref_slice %arg2[%dma_start3A_155, %dma_start3A_156] : memref<87x128xf32, #tpu.memory_space<hbm>> -> memref<7x128xf32, #tpu.memory_space<hbm>>
        %dma_start3A_158 = arith.constant 0 : i32
        %dma_start3A_159 = arith.constant 0 : i32
        %dma_start3A_160 = tpu.memref_slice %arg7[%dma_start3A_158, %dma_start3A_159] : memref<8x128xf32, #tpu.memory_space<vmem>> -> memref<7x128xf32, #tpu.memory_space<vmem>>
        %dma_start3A_161 = arith.constant 80 : i32
        %dma_start3A_162 = arith.constant 0 : i32
        %dma_start3A_163 = tpu.memref_slice %arg2[%dma_start3A_161, %dma_start3A_162] : memref<87x128xf32, #tpu.memory_space<hbm>> -> memref<7x128xf32, #tpu.memory_space<hbm>>
        tpu.enqueue_dma source(%dma_start3A_163 : memref<7x128xf32, #tpu.memory_space<hbm>>) target(%dma_start3A_160 : memref<7x128xf32, #tpu.memory_space<vmem>>) target_semaphore(%run_scoped3A : memref<!tpu.dma_semaphore, #tpu.memory_space<semaphore_mem>>)
        %dma_wait3A_164 = arith.constant 0 : i32
        %dma_wait3A_165 = arith.constant 0 : i32
        %dma_wait3A_166 = tpu.memref_slice %arg7[%dma_wait3A_164, %dma_wait3A_165] : memref<8x128xf32, #tpu.memory_space<vmem>> -> memref<7x128xf32, #tpu.memory_space<vmem>>
        %dma_wait3A_167 = arith.constant 80 : i32
        %dma_wait3A_168 = arith.constant 0 : i32
        %dma_wait3A_169 = tpu.memref_slice %arg2[%dma_wait3A_167, %dma_wait3A_168] : memref<87x128xf32, #tpu.memory_space<hbm>> -> memref<7x128xf32, #tpu.memory_space<hbm>>
        %dma_wait3A_170 = arith.constant 0 : i32
        %dma_wait3A_171 = arith.constant 0 : i32
        %dma_wait3A_172 = tpu.memref_slice %arg7[%dma_wait3A_170, %dma_wait3A_171] : memref<8x128xf32, #tpu.memory_space<vmem>> -> memref<7x128xf32, #tpu.memory_space<vmem>>
        %dma_wait3A_173 = arith.constant 80 : i32
        %dma_wait3A_174 = arith.constant 0 : i32
        %dma_wait3A_175 = tpu.memref_slice %arg2[%dma_wait3A_173, %dma_wait3A_174] : memref<87x128xf32, #tpu.memory_space<hbm>> -> memref<7x128xf32, #tpu.memory_space<hbm>>
        tpu.wait_dma2 semaphore(%run_scoped3A : memref<!tpu.dma_semaphore, #tpu.memory_space<semaphore_mem>>) src(%dma_wait3A_175 : memref<7x128xf32, #tpu.memory_space<hbm>>) dst(%dma_wait3A_172 : memref<7x128xf32, #tpu.memory_space<vmem>>)
        tpu.yield
      }) : () -> ()
      "tpu.region"() ({
        %run_scoped3A = tpu.sem_alloc : memref<!tpu.dma_semaphore, #tpu.memory_space<semaphore_mem>>
        %dma_start3A_152 = arith.constant 0 : i32
        %dma_start3A_153 = arith.constant 0 : i32
        %dma_start3A_154 = tpu.memref_slice %arg7[%dma_start3A_152, %dma_start3A_153] : memref<8x128xf32, #tpu.memory_space<vmem>> -> memref<7x128xf32, #tpu.memory_space<vmem>>
        %dma_start3A_155 = arith.constant 80 : i32
        %dma_start3A_156 = arith.constant 0 : i32
        %dma_start3A_157 = tpu.memref_slice %arg8[%dma_start3A_155, %dma_start3A_156] : memref<87x128xf32, #tpu.memory_space<vmem_shared>> -> memref<7x128xf32, #tpu.memory_space<vmem_shared>>
        %dma_start3A_158 = arith.constant 80 : i32
        %dma_start3A_159 = arith.constant 0 : i32
        %dma_start3A_160 = tpu.memref_slice %arg8[%dma_start3A_158, %dma_start3A_159] : memref<87x128xf32, #tpu.memory_space<vmem_shared>> -> memref<7x128xf32, #tpu.memory_space<vmem_shared>>
        %dma_start3A_161 = arith.constant 0 : i32
        %dma_start3A_162 = arith.constant 0 : i32
        %dma_start3A_163 = tpu.memref_slice %arg7[%dma_start3A_161, %dma_start3A_162] : memref<8x128xf32, #tpu.memory_space<vmem>> -> memref<7x128xf32, #tpu.memory_space<vmem>>
        tpu.enqueue_dma source(%dma_start3A_163 : memref<7x128xf32, #tpu.memory_space<vmem>>) target(%dma_start3A_160 : memref<7x128xf32, #tpu.memory_space<vmem_shared>>) target_semaphore(%run_scoped3A : memref<!tpu.dma_semaphore, #tpu.memory_space<semaphore_mem>>)
        %dma_wait3A_164 = arith.constant 0 : i32
        %dma_wait3A_165 = arith.constant 0 : i32
        %dma_wait3A_166 = tpu.memref_slice %arg7[%dma_wait3A_164, %dma_wait3A_165] : memref<8x128xf32, #tpu.memory_space<vmem>> -> memref<7x128xf32, #tpu.memory_space<vmem>>
        %dma_wait3A_167 = arith.constant 80 : i32
        %dma_wait3A_168 = arith.constant 0 : i32
        %dma_wait3A_169 = tpu.memref_slice %arg8[%dma_wait3A_167, %dma_wait3A_168] : memref<87x128xf32, #tpu.memory_space<vmem_shared>> -> memref<7x128xf32, #tpu.memory_space<vmem_shared>>
        %dma_wait3A_170 = arith.constant 80 : i32
        %dma_wait3A_171 = arith.constant 0 : i32
        %dma_wait3A_172 = tpu.memref_slice %arg8[%dma_wait3A_170, %dma_wait3A_171] : memref<87x128xf32, #tpu.memory_space<vmem_shared>> -> memref<7x128xf32, #tpu.memory_space<vmem_shared>>
        %dma_wait3A_173 = arith.constant 0 : i32
        %dma_wait3A_174 = arith.constant 0 : i32
        %dma_wait3A_175 = tpu.memref_slice %arg7[%dma_wait3A_173, %dma_wait3A_174] : memref<8x128xf32, #tpu.memory_space<vmem>> -> memref<7x128xf32, #tpu.memory_space<vmem>>
        tpu.wait_dma2 semaphore(%run_scoped3A : memref<!tpu.dma_semaphore, #tpu.memory_space<semaphore_mem>>) src(%dma_wait3A_175 : memref<7x128xf32, #tpu.memory_space<vmem>>) dst(%dma_wait3A_172 : memref<7x128xf32, #tpu.memory_space<vmem_shared>>)
        tpu.yield
      }) : () -> ()
    } else {
    }
    %barrier3A = arith.constant 0 : index
    tpu.barrier barrier_id(%barrier3A)
    %dma_wait3A = tpu.memref_slice %arg3[%min3A_3] : memref<100000xi32, #tpu.memory_space<hbm>> -> memref<3200xi32, #tpu.memory_space<hbm>>
    %dma_wait3A_11 = tpu.memref_slice %arg3[%min3A_3] : memref<100000xi32, #tpu.memory_space<hbm>> -> memref<3200xi32, #tpu.memory_space<hbm>>
    tpu.wait_dma2 semaphore(%arg11 : memref<!tpu.dma_semaphore, #tpu.memory_space<semaphore_mem>>) src(%dma_wait3A_11 : memref<3200xi32, #tpu.memory_space<hbm>>) dst(%arg5 : memref<3200xi32, #tpu.memory_space<vmem>>)
    %mul3A_12 = arith.constant 0 : i32
    %mul3A_13 = arith.constant 128 : i32
    %mul3A_14 = arith.muli %mul3A_12, %mul3A_13 : i32
    %dma_start3A_15 = arith.constant 0 : i32
    %dma_start3A_16 = arith.constant 0 : i32
    %dma_start3A_17 = arith.constant 0 : i32
    %dma_start3A_18 = tpu.memref_slice %arg6[%dma_start3A_15, %dma_start3A_16, %dma_start3A_17] : memref<5x128x128xf32, #tpu.memory_space<vmem>> -> memref<1x128x128xf32, #tpu.memory_space<vmem>>
    %dma_start3A_19 = tpu.memref_squeeze %dma_start3A_18 : memref<1x128x128xf32, #tpu.memory_space<vmem>> -> memref<128x128xf32, #tpu.memory_space<vmem>>
    %dma_start3A_20 = tpu.memref_slice %arg5[%mul3A_14] : memref<3200xi32, #tpu.memory_space<vmem>> -> memref<128xi32, #tpu.memory_space<vmem>>
    %dma_start3A_21 = arith.constant 0 : i32
    %dma_start3A_22 = arith.constant 0 : i32
    %dma_start3A_23 = tpu.memref_slice %arg8[%dma_start3A_21, %dma_start3A_22] : memref<87x128xf32, #tpu.memory_space<vmem_shared>> -> memref<87x128xf32, #tpu.memory_space<vmem_shared>>
    tpu.enqueue_indirect_dma source(%dma_start3A_23 : memref<87x128xf32, #tpu.memory_space<vmem_shared>>) target(%dma_start3A_19 : memref<128x128xf32, #tpu.memory_space<vmem>>) offsets(%dma_start3A_20 : memref<128xi32, #tpu.memory_space<vmem>>) semaphore(%arg9 : memref<!tpu.dma_semaphore, #tpu.memory_space<semaphore_mem>>)
    %mul3A_24 = arith.constant 1 : i32
    %mul3A_25 = arith.constant 128 : i32
    %mul3A_26 = arith.muli %mul3A_24, %mul3A_25 : i32
    %dma_start3A_27 = arith.constant 1 : i32
    %dma_start3A_28 = arith.constant 0 : i32
    %dma_start3A_29 = arith.constant 0 : i32
    %dma_start3A_30 = tpu.memref_slice %arg6[%dma_start3A_27, %dma_start3A_28, %dma_start3A_29] : memref<5x128x128xf32, #tpu.memory_space<vmem>> -> memref<1x128x128xf32, #tpu.memory_space<vmem>>
    %dma_start3A_31 = tpu.memref_squeeze %dma_start3A_30 : memref<1x128x128xf32, #tpu.memory_space<vmem>> -> memref<128x128xf32, #tpu.memory_space<vmem>>
    %dma_start3A_32 = tpu.memref_slice %arg5[%mul3A_26] : memref<3200xi32, #tpu.memory_space<vmem>> -> memref<128xi32, #tpu.memory_space<vmem>>
    %dma_start3A_33 = arith.constant 0 : i32
    %dma_start3A_34 = arith.constant 0 : i32
    %dma_start3A_35 = tpu.memref_slice %arg8[%dma_start3A_33, %dma_start3A_34] : memref<87x128xf32, #tpu.memory_space<vmem_shared>> -> memref<87x128xf32, #tpu.memory_space<vmem_shared>>
    tpu.enqueue_indirect_dma source(%dma_start3A_35 : memref<87x128xf32, #tpu.memory_space<vmem_shared>>) target(%dma_start3A_31 : memref<128x128xf32, #tpu.memory_space<vmem>>) offsets(%dma_start3A_32 : memref<128xi32, #tpu.memory_space<vmem>>) semaphore(%arg9 : memref<!tpu.dma_semaphore, #tpu.memory_space<semaphore_mem>>)
    %mul3A_36 = arith.constant 2 : i32
    %mul3A_37 = arith.constant 128 : i32
    %mul3A_38 = arith.muli %mul3A_36, %mul3A_37 : i32
    %dma_start3A_39 = arith.constant 2 : i32
    %dma_start3A_40 = arith.constant 0 : i32
    %dma_start3A_41 = arith.constant 0 : i32
    %dma_start3A_42 = tpu.memref_slice %arg6[%dma_start3A_39, %dma_start3A_40, %dma_start3A_41] : memref<5x128x128xf32, #tpu.memory_space<vmem>> -> memref<1x128x128xf32, #tpu.memory_space<vmem>>
    %dma_start3A_43 = tpu.memref_squeeze %dma_start3A_42 : memref<1x128x128xf32, #tpu.memory_space<vmem>> -> memref<128x128xf32, #tpu.memory_space<vmem>>
    %dma_start3A_44 = tpu.memref_slice %arg5[%mul3A_38] : memref<3200xi32, #tpu.memory_space<vmem>> -> memref<128xi32, #tpu.memory_space<vmem>>
    %dma_start3A_45 = arith.constant 0 : i32
    %dma_start3A_46 = arith.constant 0 : i32
    %dma_start3A_47 = tpu.memref_slice %arg8[%dma_start3A_45, %dma_start3A_46] : memref<87x128xf32, #tpu.memory_space<vmem_shared>> -> memref<87x128xf32, #tpu.memory_space<vmem_shared>>
    tpu.enqueue_indirect_dma source(%dma_start3A_47 : memref<87x128xf32, #tpu.memory_space<vmem_shared>>) target(%dma_start3A_43 : memref<128x128xf32, #tpu.memory_space<vmem>>) offsets(%dma_start3A_44 : memref<128xi32, #tpu.memory_space<vmem>>) semaphore(%arg9 : memref<!tpu.dma_semaphore, #tpu.memory_space<semaphore_mem>>)
    %mul3A_48 = arith.constant 3 : i32
    %mul3A_49 = arith.constant 128 : i32
    %mul3A_50 = arith.muli %mul3A_48, %mul3A_49 : i32
    %dma_start3A_51 = arith.constant 3 : i32
    %dma_start3A_52 = arith.constant 0 : i32
    %dma_start3A_53 = arith.constant 0 : i32
    %dma_start3A_54 = tpu.memref_slice %arg6[%dma_start3A_51, %dma_start3A_52, %dma_start3A_53] : memref<5x128x128xf32, #tpu.memory_space<vmem>> -> memref<1x128x128xf32, #tpu.memory_space<vmem>>
    %dma_start3A_55 = tpu.memref_squeeze %dma_start3A_54 : memref<1x128x128xf32, #tpu.memory_space<vmem>> -> memref<128x128xf32, #tpu.memory_space<vmem>>
    %dma_start3A_56 = tpu.memref_slice %arg5[%mul3A_50] : memref<3200xi32, #tpu.memory_space<vmem>> -> memref<128xi32, #tpu.memory_space<vmem>>
    %dma_start3A_57 = arith.constant 0 : i32
    %dma_start3A_58 = arith.constant 0 : i32
    %dma_start3A_59 = tpu.memref_slice %arg8[%dma_start3A_57, %dma_start3A_58] : memref<87x128xf32, #tpu.memory_space<vmem_shared>> -> memref<87x128xf32, #tpu.memory_space<vmem_shared>>
    tpu.enqueue_indirect_dma source(%dma_start3A_59 : memref<87x128xf32, #tpu.memory_space<vmem_shared>>) target(%dma_start3A_55 : memref<128x128xf32, #tpu.memory_space<vmem>>) offsets(%dma_start3A_56 : memref<128xi32, #tpu.memory_space<vmem>>) semaphore(%arg9 : memref<!tpu.dma_semaphore, #tpu.memory_space<semaphore_mem>>)
    %mul3A_60 = arith.constant 4 : i32
    %mul3A_61 = arith.constant 128 : i32
    %mul3A_62 = arith.muli %mul3A_60, %mul3A_61 : i32
    %dma_start3A_63 = arith.constant 4 : i32
    %dma_start3A_64 = arith.constant 0 : i32
    %dma_start3A_65 = arith.constant 0 : i32
    %dma_start3A_66 = tpu.memref_slice %arg6[%dma_start3A_63, %dma_start3A_64, %dma_start3A_65] : memref<5x128x128xf32, #tpu.memory_space<vmem>> -> memref<1x128x128xf32, #tpu.memory_space<vmem>>
    %dma_start3A_67 = tpu.memref_squeeze %dma_start3A_66 : memref<1x128x128xf32, #tpu.memory_space<vmem>> -> memref<128x128xf32, #tpu.memory_space<vmem>>
    %dma_start3A_68 = tpu.memref_slice %arg5[%mul3A_62] : memref<3200xi32, #tpu.memory_space<vmem>> -> memref<128xi32, #tpu.memory_space<vmem>>
    %dma_start3A_69 = arith.constant 0 : i32
    %dma_start3A_70 = arith.constant 0 : i32
    %dma_start3A_71 = tpu.memref_slice %arg8[%dma_start3A_69, %dma_start3A_70] : memref<87x128xf32, #tpu.memory_space<vmem_shared>> -> memref<87x128xf32, #tpu.memory_space<vmem_shared>>
    tpu.enqueue_indirect_dma source(%dma_start3A_71 : memref<87x128xf32, #tpu.memory_space<vmem_shared>>) target(%dma_start3A_67 : memref<128x128xf32, #tpu.memory_space<vmem>>) offsets(%dma_start3A_68 : memref<128xi32, #tpu.memory_space<vmem>>) semaphore(%arg9 : memref<!tpu.dma_semaphore, #tpu.memory_space<semaphore_mem>>)
    %scan3A = arith.constant 0 : i32
    %scan3A_72 = arith.constant 0 : i32
    %scan3A_73 = arith.constant 25 : i32
    %scan3A_74 = arith.addi %scan3A_72, %scan3A_73 : i32
    %scan3A_75 = arith.constant 1 : i32
    scf.for %scan3A_152 = %scan3A_72 to %scan3A_74 step %scan3A_75  : i32 {
      %rem3A = arith.constant 5 : i32
      %rem3A_153 = arith.remsi %scan3A_152, %rem3A : i32
      %dma_wait3A_154 = arith.constant 0 : i32
      %dma_wait3A_155 = arith.constant 0 : i32
      %dma_wait3A_156 = tpu.memref_slice %arg6[%rem3A_153, %dma_wait3A_154, %dma_wait3A_155] : memref<5x128x128xf32, #tpu.memory_space<vmem>> -> memref<1x128x128xf32, #tpu.memory_space<vmem>>
      %dma_wait3A_157 = tpu.memref_squeeze %dma_wait3A_156 : memref<1x128x128xf32, #tpu.memory_space<vmem>> -> memref<128x128xf32, #tpu.memory_space<vmem>>
      %dma_wait3A_158 = arith.constant 0 : i32
      %dma_wait3A_159 = arith.constant 0 : i32
      %dma_wait3A_160 = tpu.memref_slice %arg4[%dma_wait3A_158, %dma_wait3A_159] : memref<100000x128xf32, #tpu.memory_space<hbm>> -> memref<128x128xf32, #tpu.memory_space<hbm>>
      %dma_wait3A_161 = arith.constant 0 : i32
      %dma_wait3A_162 = arith.constant 0 : i32
      %dma_wait3A_163 = tpu.memref_slice %arg6[%rem3A_153, %dma_wait3A_161, %dma_wait3A_162] : memref<5x128x128xf32, #tpu.memory_space<vmem>> -> memref<1x128x128xf32, #tpu.memory_space<vmem>>
      %dma_wait3A_164 = tpu.memref_squeeze %dma_wait3A_163 : memref<1x128x128xf32, #tpu.memory_space<vmem>> -> memref<128x128xf32, #tpu.memory_space<vmem>>
      %dma_wait3A_165 = arith.constant 0 : i32
      %dma_wait3A_166 = arith.constant 0 : i32
      %dma_wait3A_167 = tpu.memref_slice %arg4[%dma_wait3A_165, %dma_wait3A_166] : memref<100000x128xf32, #tpu.memory_space<hbm>> -> memref<128x128xf32, #tpu.memory_space<hbm>>
      tpu.wait_dma2 semaphore(%arg9 : memref<!tpu.dma_semaphore, #tpu.memory_space<semaphore_mem>>) src(%dma_wait3A_167 : memref<128x128xf32, #tpu.memory_space<hbm>>) dst(%dma_wait3A_164 : memref<128x128xf32, #tpu.memory_space<vmem>>)
      %mul3A_168 = arith.constant 128 : i32
      %mul3A_169 = arith.muli %scan3A_152, %mul3A_168 : i32
      %add3A_170 = arith.addi %min3A_3, %mul3A_169 : i32
      %dma_start3A_171 = arith.constant 0 : i32
      %dma_start3A_172 = arith.constant 0 : i32
      %dma_start3A_173 = tpu.memref_slice %arg6[%rem3A_153, %dma_start3A_171, %dma_start3A_172] : memref<5x128x128xf32, #tpu.memory_space<vmem>> -> memref<1x128x128xf32, #tpu.memory_space<vmem>>
      %dma_start3A_174 = tpu.memref_squeeze %dma_start3A_173 : memref<1x128x128xf32, #tpu.memory_space<vmem>> -> memref<128x128xf32, #tpu.memory_space<vmem>>
      %dma_start3A_175 = arith.constant 0 : i32
      %dma_start3A_176 = tpu.memref_slice %arg4[%add3A_170, %dma_start3A_175] : memref<100000x128xf32, #tpu.memory_space<hbm>> -> memref<128x128xf32, #tpu.memory_space<hbm>>
      %dma_start3A_177 = arith.constant 0 : i32
      %dma_start3A_178 = tpu.memref_slice %arg4[%add3A_170, %dma_start3A_177] : memref<100000x128xf32, #tpu.memory_space<hbm>> -> memref<128x128xf32, #tpu.memory_space<hbm>>
      %dma_start3A_179 = arith.constant 0 : i32
      %dma_start3A_180 = arith.constant 0 : i32
      %dma_start3A_181 = tpu.memref_slice %arg6[%rem3A_153, %dma_start3A_179, %dma_start3A_180] : memref<5x128x128xf32, #tpu.memory_space<vmem>> -> memref<1x128x128xf32, #tpu.memory_space<vmem>>
      %dma_start3A_182 = tpu.memref_squeeze %dma_start3A_181 : memref<1x128x128xf32, #tpu.memory_space<vmem>> -> memref<128x128xf32, #tpu.memory_space<vmem>>
      tpu.enqueue_dma source(%dma_start3A_182 : memref<128x128xf32, #tpu.memory_space<vmem>>) target(%dma_start3A_178 : memref<128x128xf32, #tpu.memory_space<hbm>>) target_semaphore(%arg10 : memref<!tpu.dma_semaphore, #tpu.memory_space<semaphore_mem>>)
      %ge3A = arith.constant 1 : i32
      %ge3A_183 = arith.cmpi sge, %scan3A_152, %ge3A : i32
      %sub3A = arith.constant 1 : i32
      %sub3A_184 = arith.subi %scan3A_152, %sub3A : i32
      %add3A_185 = arith.constant 5 : i32
      %add3A_186 = arith.addi %sub3A_184, %add3A_185 : i32
      %lt3A_187 = arith.constant 25 : i32
      %lt3A_188 = arith.cmpi slt, %add3A_186, %lt3A_187 : i32
      %and3A = arith.andi %ge3A_183, %lt3A_188 : i1
      %convert_element_type3A_189 = arith.extui %and3A : i1 to i32
      %cond3A_190 = arith.constant 0 : i32
      %cond3A_191 = arith.cmpi ne, %convert_element_type3A_189, %cond3A_190 : i32
      scf.if %cond3A_191 {
        %sub3A_192 = arith.constant 1 : i32
        %sub3A_193 = arith.subi %scan3A_152, %sub3A_192 : i32
        %rem3A_194 = arith.constant 5 : i32
        %rem3A_195 = arith.remsi %sub3A_193, %rem3A_194 : i32
        %dma_wait3A_196 = arith.constant 0 : i32
        %dma_wait3A_197 = arith.constant 0 : i32
        %dma_wait3A_198 = tpu.memref_slice %arg6[%rem3A_195, %dma_wait3A_196, %dma_wait3A_197] : memref<5x128x128xf32, #tpu.memory_space<vmem>> -> memref<1x128x128xf32, #tpu.memory_space<vmem>>
        %dma_wait3A_199 = tpu.memref_squeeze %dma_wait3A_198 : memref<1x128x128xf32, #tpu.memory_space<vmem>> -> memref<128x128xf32, #tpu.memory_space<vmem>>
        %dma_wait3A_200 = arith.constant 0 : i32
        %dma_wait3A_201 = arith.constant 0 : i32
        %dma_wait3A_202 = tpu.memref_slice %arg4[%dma_wait3A_200, %dma_wait3A_201] : memref<100000x128xf32, #tpu.memory_space<hbm>> -> memref<128x128xf32, #tpu.memory_space<hbm>>
        %dma_wait3A_203 = arith.constant 0 : i32
        %dma_wait3A_204 = arith.constant 0 : i32
        %dma_wait3A_205 = tpu.memref_slice %arg4[%dma_wait3A_203, %dma_wait3A_204] : memref<100000x128xf32, #tpu.memory_space<hbm>> -> memref<128x128xf32, #tpu.memory_space<hbm>>
        %dma_wait3A_206 = arith.constant 0 : i32
        %dma_wait3A_207 = arith.constant 0 : i32
        %dma_wait3A_208 = tpu.memref_slice %arg6[%rem3A_195, %dma_wait3A_206, %dma_wait3A_207] : memref<5x128x128xf32, #tpu.memory_space<vmem>> -> memref<1x128x128xf32, #tpu.memory_space<vmem>>
        %dma_wait3A_209 = tpu.memref_squeeze %dma_wait3A_208 : memref<1x128x128xf32, #tpu.memory_space<vmem>> -> memref<128x128xf32, #tpu.memory_space<vmem>>
        tpu.wait_dma2 semaphore(%arg10 : memref<!tpu.dma_semaphore, #tpu.memory_space<semaphore_mem>>) src(%dma_wait3A_209 : memref<128x128xf32, #tpu.memory_space<vmem>>) dst(%dma_wait3A_205 : memref<128x128xf32, #tpu.memory_space<hbm>>)
        %sub3A_210 = arith.constant 1 : i32
        %sub3A_211 = arith.subi %scan3A_152, %sub3A_210 : i32
        %add3A_212 = arith.constant 5 : i32
        %add3A_213 = arith.addi %sub3A_211, %add3A_212 : i32
        %mul3A_214 = arith.constant 128 : i32
        %mul3A_215 = arith.muli %add3A_213, %mul3A_214 : i32
        %dma_start3A_216 = arith.constant 0 : i32
        %dma_start3A_217 = arith.constant 0 : i32
        %dma_start3A_218 = tpu.memref_slice %arg6[%rem3A_195, %dma_start3A_216, %dma_start3A_217] : memref<5x128x128xf32, #tpu.memory_space<vmem>> -> memref<1x128x128xf32, #tpu.memory_space<vmem>>
        %dma_start3A_219 = tpu.memref_squeeze %dma_start3A_218 : memref<1x128x128xf32, #tpu.memory_space<vmem>> -> memref<128x128xf32, #tpu.memory_space<vmem>>
        %dma_start3A_220 = tpu.memref_slice %arg5[%mul3A_215] : memref<3200xi32, #tpu.memory_space<vmem>> -> memref<128xi32, #tpu.memory_space<vmem>>
        %dma_start3A_221 = arith.constant 0 : i32
        %dma_start3A_222 = arith.constant 0 : i32
        %dma_start3A_223 = tpu.memref_slice %arg8[%dma_start3A_221, %dma_start3A_222] : memref<87x128xf32, #tpu.memory_space<vmem_shared>> -> memref<87x128xf32, #tpu.memory_space<vmem_shared>>
        tpu.enqueue_indirect_dma source(%dma_start3A_223 : memref<87x128xf32, #tpu.memory_space<vmem_shared>>) target(%dma_start3A_219 : memref<128x128xf32, #tpu.memory_space<vmem>>) offsets(%dma_start3A_220 : memref<128xi32, #tpu.memory_space<vmem>>) semaphore(%arg9 : memref<!tpu.dma_semaphore, #tpu.memory_space<semaphore_mem>>)
      } else {
      }
    }
    %scan3A_76 = arith.constant 25 : i32
    %dma_wait3A_77 = arith.constant 0 : i32
    %dma_wait3A_78 = arith.constant 0 : i32
    %dma_wait3A_79 = arith.constant 0 : i32
    %dma_wait3A_80 = tpu.memref_slice %arg6[%dma_wait3A_77, %dma_wait3A_78, %dma_wait3A_79] : memref<5x128x128xf32, #tpu.memory_space<vmem>> -> memref<1x128x128xf32, #tpu.memory_space<vmem>>
    %dma_wait3A_81 = tpu.memref_squeeze %dma_wait3A_80 : memref<1x128x128xf32, #tpu.memory_space<vmem>> -> memref<128x128xf32, #tpu.memory_space<vmem>>
    %dma_wait3A_82 = arith.constant 0 : i32
    %dma_wait3A_83 = arith.constant 0 : i32
    %dma_wait3A_84 = tpu.memref_slice %arg4[%dma_wait3A_82, %dma_wait3A_83] : memref<100000x128xf32, #tpu.memory_space<hbm>> -> memref<128x128xf32, #tpu.memory_space<hbm>>
    %dma_wait3A_85 = arith.constant 0 : i32
    %dma_wait3A_86 = arith.constant 0 : i32
    %dma_wait3A_87 = tpu.memref_slice %arg4[%dma_wait3A_85, %dma_wait3A_86] : memref<100000x128xf32, #tpu.memory_space<hbm>> -> memref<128x128xf32, #tpu.memory_space<hbm>>
    %dma_wait3A_88 = arith.constant 0 : i32
    %dma_wait3A_89 = arith.constant 0 : i32
    %dma_wait3A_90 = tpu.memref_slice %arg6[%dma_wait3A_77, %dma_wait3A_88, %dma_wait3A_89] : memref<5x128x128xf32, #tpu.memory_space<vmem>> -> memref<1x128x128xf32, #tpu.memory_space<vmem>>
    %dma_wait3A_91 = tpu.memref_squeeze %dma_wait3A_90 : memref<1x128x128xf32, #tpu.memory_space<vmem>> -> memref<128x128xf32, #tpu.memory_space<vmem>>
    tpu.wait_dma2 semaphore(%arg10 : memref<!tpu.dma_semaphore, #tpu.memory_space<semaphore_mem>>) src(%dma_wait3A_91 : memref<128x128xf32, #tpu.memory_space<vmem>>) dst(%dma_wait3A_87 : memref<128x128xf32, #tpu.memory_space<hbm>>)
    %dma_wait3A_92 = arith.constant 1 : i32
    %dma_wait3A_93 = arith.constant 0 : i32
    %dma_wait3A_94 = arith.constant 0 : i32
    %dma_wait3A_95 = tpu.memref_slice %arg6[%dma_wait3A_92, %dma_wait3A_93, %dma_wait3A_94] : memref<5x128x128xf32, #tpu.memory_space<vmem>> -> memref<1x128x128xf32, #tpu.memory_space<vmem>>
    %dma_wait3A_96 = tpu.memref_squeeze %dma_wait3A_95 : memref<1x128x128xf32, #tpu.memory_space<vmem>> -> memref<128x128xf32, #tpu.memory_space<vmem>>
    %dma_wait3A_97 = arith.constant 0 : i32
    %dma_wait3A_98 = arith.constant 0 : i32
    %dma_wait3A_99 = tpu.memref_slice %arg4[%dma_wait3A_97, %dma_wait3A_98] : memref<100000x128xf32, #tpu.memory_space<hbm>> -> memref<128x128xf32, #tpu.memory_space<hbm>>
    %dma_wait3A_100 = arith.constant 0 : i32
    %dma_wait3A_101 = arith.constant 0 : i32
    %dma_wait3A_102 = tpu.memref_slice %arg4[%dma_wait3A_100, %dma_wait3A_101] : memref<100000x128xf32, #tpu.memory_space<hbm>> -> memref<128x128xf32, #tpu.memory_space<hbm>>
    %dma_wait3A_103 = arith.constant 0 : i32
    %dma_wait3A_104 = arith.constant 0 : i32
    %dma_wait3A_105 = tpu.memref_slice %arg6[%dma_wait3A_92, %dma_wait3A_103, %dma_wait3A_104] : memref<5x128x128xf32, #tpu.memory_space<vmem>> -> memref<1x128x128xf32, #tpu.memory_space<vmem>>
    %dma_wait3A_106 = tpu.memref_squeeze %dma_wait3A_105 : memref<1x128x128xf32, #tpu.memory_space<vmem>> -> memref<128x128xf32, #tpu.memory_space<vmem>>
    tpu.wait_dma2 semaphore(%arg10 : memref<!tpu.dma_semaphore, #tpu.memory_space<semaphore_mem>>) src(%dma_wait3A_106 : memref<128x128xf32, #tpu.memory_space<vmem>>) dst(%dma_wait3A_102 : memref<128x128xf32, #tpu.memory_space<hbm>>)
    %dma_wait3A_107 = arith.constant 2 : i32
    %dma_wait3A_108 = arith.constant 0 : i32
    %dma_wait3A_109 = arith.constant 0 : i32
    %dma_wait3A_110 = tpu.memref_slice %arg6[%dma_wait3A_107, %dma_wait3A_108, %dma_wait3A_109] : memref<5x128x128xf32, #tpu.memory_space<vmem>> -> memref<1x128x128xf32, #tpu.memory_space<vmem>>
    %dma_wait3A_111 = tpu.memref_squeeze %dma_wait3A_110 : memref<1x128x128xf32, #tpu.memory_space<vmem>> -> memref<128x128xf32, #tpu.memory_space<vmem>>
    %dma_wait3A_112 = arith.constant 0 : i32
    %dma_wait3A_113 = arith.constant 0 : i32
    %dma_wait3A_114 = tpu.memref_slice %arg4[%dma_wait3A_112, %dma_wait3A_113] : memref<100000x128xf32, #tpu.memory_space<hbm>> -> memref<128x128xf32, #tpu.memory_space<hbm>>
    %dma_wait3A_115 = arith.constant 0 : i32
    %dma_wait3A_116 = arith.constant 0 : i32
    %dma_wait3A_117 = tpu.memref_slice %arg4[%dma_wait3A_115, %dma_wait3A_116] : memref<100000x128xf32, #tpu.memory_space<hbm>> -> memref<128x128xf32, #tpu.memory_space<hbm>>
    %dma_wait3A_118 = arith.constant 0 : i32
    %dma_wait3A_119 = arith.constant 0 : i32
    %dma_wait3A_120 = tpu.memref_slice %arg6[%dma_wait3A_107, %dma_wait3A_118, %dma_wait3A_119] : memref<5x128x128xf32, #tpu.memory_space<vmem>> -> memref<1x128x128xf32, #tpu.memory_space<vmem>>
    %dma_wait3A_121 = tpu.memref_squeeze %dma_wait3A_120 : memref<1x128x128xf32, #tpu.memory_space<vmem>> -> memref<128x128xf32, #tpu.memory_space<vmem>>
    tpu.wait_dma2 semaphore(%arg10 : memref<!tpu.dma_semaphore, #tpu.memory_space<semaphore_mem>>) src(%dma_wait3A_121 : memref<128x128xf32, #tpu.memory_space<vmem>>) dst(%dma_wait3A_117 : memref<128x128xf32, #tpu.memory_space<hbm>>)
    %dma_wait3A_122 = arith.constant 3 : i32
    %dma_wait3A_123 = arith.constant 0 : i32
    %dma_wait3A_124 = arith.constant 0 : i32
    %dma_wait3A_125 = tpu.memref_slice %arg6[%dma_wait3A_122, %dma_wait3A_123, %dma_wait3A_124] : memref<5x128x128xf32, #tpu.memory_space<vmem>> -> memref<1x128x128xf32, #tpu.memory_space<vmem>>
    %dma_wait3A_126 = tpu.memref_squeeze %dma_wait3A_125 : memref<1x128x128xf32, #tpu.memory_space<vmem>> -> memref<128x128xf32, #tpu.memory_space<vmem>>
    %dma_wait3A_127 = arith.constant 0 : i32
    %dma_wait3A_128 = arith.constant 0 : i32
    %dma_wait3A_129 = tpu.memref_slice %arg4[%dma_wait3A_127, %dma_wait3A_128] : memref<100000x128xf32, #tpu.memory_space<hbm>> -> memref<128x128xf32, #tpu.memory_space<hbm>>
    %dma_wait3A_130 = arith.constant 0 : i32
    %dma_wait3A_131 = arith.constant 0 : i32
    %dma_wait3A_132 = tpu.memref_slice %arg4[%dma_wait3A_130, %dma_wait3A_131] : memref<100000x128xf32, #tpu.memory_space<hbm>> -> memref<128x128xf32, #tpu.memory_space<hbm>>
    %dma_wait3A_133 = arith.constant 0 : i32
    %dma_wait3A_134 = arith.constant 0 : i32
    %dma_wait3A_135 = tpu.memref_slice %arg6[%dma_wait3A_122, %dma_wait3A_133, %dma_wait3A_134] : memref<5x128x128xf32, #tpu.memory_space<vmem>> -> memref<1x128x128xf32, #tpu.memory_space<vmem>>
    %dma_wait3A_136 = tpu.memref_squeeze %dma_wait3A_135 : memref<1x128x128xf32, #tpu.memory_space<vmem>> -> memref<128x128xf32, #tpu.memory_space<vmem>>
    tpu.wait_dma2 semaphore(%arg10 : memref<!tpu.dma_semaphore, #tpu.memory_space<semaphore_mem>>) src(%dma_wait3A_136 : memref<128x128xf32, #tpu.memory_space<vmem>>) dst(%dma_wait3A_132 : memref<128x128xf32, #tpu.memory_space<hbm>>)
    %dma_wait3A_137 = arith.constant 4 : i32
    %dma_wait3A_138 = arith.constant 0 : i32
    %dma_wait3A_139 = arith.constant 0 : i32
    %dma_wait3A_140 = tpu.memref_slice %arg6[%dma_wait3A_137, %dma_wait3A_138, %dma_wait3A_139] : memref<5x128x128xf32, #tpu.memory_space<vmem>> -> memref<1x128x128xf32, #tpu.memory_space<vmem>>
    %dma_wait3A_141 = tpu.memref_squeeze %dma_wait3A_140 : memref<1x128x128xf32, #tpu.memory_space<vmem>> -> memref<128x128xf32, #tpu.memory_space<vmem>>
    %dma_wait3A_142 = arith.constant 0 : i32
    %dma_wait3A_143 = arith.constant 0 : i32
    %dma_wait3A_144 = tpu.memref_slice %arg4[%dma_wait3A_142, %dma_wait3A_143] : memref<100000x128xf32, #tpu.memory_space<hbm>> -> memref<128x128xf32, #tpu.memory_space<hbm>>
    %dma_wait3A_145 = arith.constant 0 : i32
    %dma_wait3A_146 = arith.constant 0 : i32
    %dma_wait3A_147 = tpu.memref_slice %arg4[%dma_wait3A_145, %dma_wait3A_146] : memref<100000x128xf32, #tpu.memory_space<hbm>> -> memref<128x128xf32, #tpu.memory_space<hbm>>
    %dma_wait3A_148 = arith.constant 0 : i32
    %dma_wait3A_149 = arith.constant 0 : i32
    %dma_wait3A_150 = tpu.memref_slice %arg6[%dma_wait3A_137, %dma_wait3A_148, %dma_wait3A_149] : memref<5x128x128xf32, #tpu.memory_space<vmem>> -> memref<1x128x128xf32, #tpu.memory_space<vmem>>
    %dma_wait3A_151 = tpu.memref_squeeze %dma_wait3A_150 : memref<1x128x128xf32, #tpu.memory_space<vmem>> -> memref<128x128xf32, #tpu.memory_space<vmem>>
    tpu.wait_dma2 semaphore(%arg10 : memref<!tpu.dma_semaphore, #tpu.memory_space<semaphore_mem>>) src(%dma_wait3A_151 : memref<128x128xf32, #tpu.memory_space<vmem>>) dst(%dma_wait3A_147 : memref<128x128xf32, #tpu.memory_space<hbm>>)
    return
  }
}

module attributes {stable_mosaic.version = 14 : i64} {
  func.func @_table_body(%arg0: memref<87x128xf32, #tpu.memory_space<vmem>>, %arg1: memref<87x20xf32, #tpu.memory_space<vmem>>, %arg2: memref<128x20xf32, #tpu.memory_space<vmem>>, %arg3: memref<87x128xf32, #tpu.memory_space<vmem>>) attributes {dimension_semantics = [], scalar_prefetch = 0 : i64, scratch_operands = 0 : i64, tpu.core_type = #tpu.core_type<tc>} {
    %get3A = arith.constant 0 : index
    %get3A_0 = arith.constant 0 : index
    %get3A_1 = vector.load %arg0[%get3A, %get3A_0] : memref<87x128xf32, #tpu.memory_space<vmem>>, vector<87x128xf32>
    %get3A_2 = arith.constant 0 : index
    %get3A_3 = arith.constant 0 : index
    %get3A_4 = vector.load %arg1[%get3A_2, %get3A_3] : memref<87x20xf32, #tpu.memory_space<vmem>>, vector<87x20xf32>
    %get3A_5 = arith.constant 0 : index
    %get3A_6 = arith.constant 0 : index
    %get3A_7 = vector.load %arg2[%get3A_5, %get3A_6] : memref<128x20xf32, #tpu.memory_space<vmem>>, vector<128x20xf32>
    %dot_general3A = arith.constant dense<0.000000e+00> : vector<87x128xf32>
    %dot_general3A_8 = tpu.matmul %get3A_4, %get3A_7, %dot_general3A {dimension_numbers = #tpu.dot_dimension_numbers<[1], [1], [0], [0], [0, 0, 1, 0], [], []>, transpose_lhs_hint = false} : vector<87x20xf32>, vector<128x20xf32>, vector<87x128xf32> -> vector<87x128xf32>
    %add3A = arith.addf %get3A_1, %dot_general3A_8 : vector<87x128xf32>
    %swap3A = arith.constant 0 : index
    %swap3A_9 = arith.constant 0 : index
    %swap3A_10 = vector.load %arg3[%swap3A, %swap3A_9] : memref<87x128xf32, #tpu.memory_space<vmem>>, vector<87x128xf32>
    tpu.vector_store %arg3[%swap3A, %swap3A_9], %add3A {strides = array<i32>} : memref<87x128xf32, #tpu.memory_space<vmem>>, vector<87x128xf32>,
    return
  }
}

</mosaic_0001>

<sc_bundles>
// kernel: kernel.4.cloned.1.call-start
scs
__scs_entry_jumppad:
0x0: {  	(pc) =	sbr.rel $0x88, $3  }
0x1: {  	(tag) =	ssettag $0x0;
	lr =	simm.s32 $0x1  }
0x2: {  	[smem:$0x3F9D] =	sst lr;
	_ =	strace $0xD0000000  }
0x3: {  	_ = 	snop  }
0x4: {  	_ = 	snop  }
0x5: {  	_ = 	snop  }
0x6: {  	_ = 	snop  }
0x7: {  	_ = 	snop  }
__scs_overlays_trampoline_lowered:
0x8: {  	[smem:$0x3FAC] =	sst s0  }
0x9: {  	[smem:$0x3FAD] =	sst s1  }
0xa: {  	[smem:$0x3FAE] =	sst s2  }
0xb: {  	[smem:$0x3FAF] =	sst s3  }
0xc: {  	[smem:$0x3FB0] =	sst s4  }
0xd: {  	[smem:$0x3FB1] =	sst s5  }
0xe: {  	[smem:$0x3FB2] =	sst s6  }
0xf: {  	[smem:$0x3FB3] =	sst s7  }
0x10: {  	[smem:$0x3FB4] =	sst s8  }
0x11: {  	[smem:$0x3FB5] =	sst s9;
	s0 =	simm.s32 @!p0 $0x0  }
0x12: {  	s1 =	sld [smem:$0x3F9B];
	s0 =	simm.s32 @p0 $0x1  }
0x13: {  	[smem:$0x3FB6] =	sst s0;
	s0 =	simm.s32 @!p1 $0x0  }
0x14: {  	s2 =	sld [smem:$0x3F9A];
	s0 =	simm.s32 @p1 $0x1  }
0x15: {  	[smem:$0x3FB7] =	sst s0;
	s0 =	simm.s32 @!p2 $0x0  }
0x16: {  	s3 =	sld [smem:$0x3FDB];
	s0 =	simm.s32 @p2 $0x1  }
0x17: {  	s4 =	simm.s32 $0x1BF5;
	[smem:$0x3FB9] =	sst s0  }
0x18: {  	s0 =	sld [smem:$0x3F9C];
	_ =	swait.ge [sflag:s4], $0x0  }
0x19: {  	s7 =	sld [smem:$0x3F9D]  }
0x1a: {  	s8 =	sadd.s32 $0xFFFFE003, lr  }
0x1b: {  	s9 =	sadd.s32 $0xFFFFFEF7, lr;
	s5 =	simm.s32 $0xFFFFFFFF;
	p2 =	slt.u32 s8, $0xFFFFF086  }
0x1c: {  	p1 =	slt.u32 s9, $0xF7A;
	s5 =	simm.s32 @!p2 $0x0  }
0x1d: {  	s5 =	simm.s32 @p1 $0x1;
	p0 =	seq.s32 s7, s2  }
0x1e: {  	s7 =	smul.u32 @!p0 $0xF7A, s2;
	p2 =	seq.s32 @!p0 s5, $0x0  }
0x1f: {  	s9 =	smul.u32 $0xF7A, s1;
	s8 =	simm.s32 @!p0 $0x1BF5;
	p2 =	por !p2, p0  }
0x20: {  	[sflag:s8] =	ssyncset.s32 @!p0 $0xFFFFF086;
	s6 =	sadd.s32 @!p0 s3, s7;
	s7 =	simm.s32 @!p0 $0x108  }
0x21: {  	s3 =	sadd.s32 s3, s9;
	s6 =	sadd.s32 @!p0 $0x88, s6;
	s7 =	simm.s32 @p2 $0x1082  }
0x22: {  	[simem:s7], [sflag:s8] =	dma.local @!p0 [hbm:s6], $0xF7A  }
0x23: {  	s9 =	sor.u32 $0xD0000000, s2;
	s6 =	simm.s32 $0x108;
	_ =	swait.ge @!p0 [sflag:s8], $0x0  }
0x24: {  	s3 =	sadd.s32 $0x88, s3;
	s6 =	simm.s32 @!p1 $0x1082;
	[sflag:s4] =	ssyncset.s32 $0xFFFFF086  }
0x25: {  	[simem:s6], [sflag:s4] =	dma.local [hbm:s3], $0xF7A  }
0x26: {  	[smem:$0x3F9D] =	sst s1;
	(tag) =	ssettag s2;
	_ =	strace s9  }
0x27: {  	s1 =	sld [smem:$0x3FAD]  }
0x28: {  	s2 =	sld [smem:$0x3FAE]  }
0x29: {  	s4 =	sld [smem:$0x3FB0]  }
0x2a: {  	p0 =	seq.s32 s5, $0x0;
	s5 =	sld [smem:$0x3FB1]  }
0x2b: {  	s6 =	sld [smem:$0x3FB2]  }
0x2c: {  	s7 =	sld [smem:$0x3FB3]  }
0x2d: {  	s3 =	simm.s32 $0x108;
	s8 =	sld [smem:$0x3FB4]  }
0x2e: {  	s3 =	simm.s32 @!p0 $0x1082;
	s9 =	sld [smem:$0x3FB5]  }
0x2f: {  	lr =	sadd.s32 s0, s3;
	s0 =	sld [smem:$0x3FAC]  }
0x30: {  	s3 =	sld [smem:$0x3FAF]  }
0x31: {  	[smem:$0x3FB8] =	sst s10  }
0x32: {  	s10 =	sld [smem:$0x3FB6];
	_ =	sdelay $0x3  }
0x33: {  	p0 =	seq.s32 s10, $0x1;
	s10 =	sld [smem:$0x3FB8];
	_ =	sdelay $0x3  }
0x34: {  	[smem:$0x3FB8] =	sst s10  }
0x35: {  	s10 =	sld [smem:$0x3FB7];
	_ =	sdelay $0x3  }
0x36: {  	p1 =	seq.s32 s10, $0x1;
	s10 =	sld [smem:$0x3FB8];
	_ =	sdelay $0x3  }
0x37: {  	[smem:$0x3FB8] =	sst s10  }
0x38: {  	s10 =	sld [smem:$0x3FB9]  }
0x39: {  	_ = 	snop;
	(pc) =	sbr.ind lr, $3  }
0x3a: {  	_ = 	snop  }
0x3b: {  	_ = 	snop  }
0x3c: {  	p2 =	seq.s32 s10, $0x1;
	s10 =	sld [smem:$0x3FB8]  }
0x3d: {  	_ =	shalt  }
0x3e: {  	_ =	shalt  }
0x3f: {  	_ =	shalt  }
0x40: {  	_ =	shalt  }
0x41: {  	_ =	shalt  }
0x42: {  	_ =	shalt  }
0x43: {  	_ =	shalt  }
0x44: {  	_ =	shalt  }
0x45: {  	_ =	shalt  }
0x46: {  	_ =	shalt  }
0x47: {  	_ =	shalt  }
0x48: {  	_ =	shalt  }
0x49: {  	_ =	shalt  }
0x4a: {  	_ =	shalt  }
0x4b: {  	_ =	shalt  }
0x4c: {  	_ =	shalt  }
0x4d: {  	_ =	shalt  }
0x4e: {  	_ =	shalt  }
0x4f: {  	_ =	shalt  }
0x50: {  	_ =	shalt  }
0x51: {  	_ =	shalt  }
0x52: {  	_ =	shalt  }
0x53: {  	_ =	shalt  }
0x54: {  	_ =	shalt  }
0x55: {  	_ =	shalt  }
0x56: {  	_ =	shalt  }
0x57: {  	_ =	shalt  }
0x58: {  	_ =	shalt  }
0x59: {  	_ =	shalt  }
0x5a: {  	_ =	shalt  }
0x5b: {  	_ =	shalt  }
0x5c: {  	_ =	shalt  }
0x5d: {  	_ =	shalt  }
0x5e: {  	_ =	shalt  }
0x5f: {  	_ =	shalt  }
0x60: {  	_ =	shalt  }
0x61: {  	_ =	shalt  }
0x62: {  	_ =	shalt  }
0x63: {  	_ =	shalt  }
0x64: {  	_ =	shalt  }
0x65: {  	_ =	shalt  }
0x66: {  	_ =	shalt  }
0x67: {  	_ =	shalt  }
0x68: {  	_ =	shalt  }
0x69: {  	_ =	shalt  }
0x6a: {  	_ =	shalt  }
0x6b: {  	_ =	shalt  }
0x6c: {  	_ =	shalt  }
0x6d: {  	_ =	shalt  }
0x6e: {  	_ =	shalt  }
0x6f: {  	_ =	shalt  }
0x70: {  	_ =	shalt  }
0x71: {  	_ =	shalt  }
0x72: {  	_ =	shalt  }
0x73: {  	_ =	shalt  }
0x74: {  	_ =	shalt  }
0x75: {  	_ =	shalt  }
0x76: {  	_ =	shalt  }
0x77: {  	_ =	shalt  }
0x78: {  	_ =	shalt  }
0x79: {  	_ =	shalt  }
0x7a: {  	_ =	shalt  }
0x7b: {  	_ =	shalt  }
0x7c: {  	_ =	shalt  }
0x7d: {  	_ =	shalt  }
0x7e: {  	_ =	shalt  }
0x7f: {  	_ =	shalt  }
0x80: {  	_ =	shalt  }
0x81: {  	_ =	shalt  }
0x82: {  	_ =	shalt  }
0x83: {  	_ =	shalt  }
0x84: {  	_ =	shalt  }
0x85: {  	_ =	shalt  }
0x86: {  	_ =	shalt  }
0x87: {  	_ =	shalt  }
.Lfunc_end0:
.L_simem_size_0:
called_computation_lowered:
.L_overlay_start_0:
0x88: {  	s2 =	sld [smem:$0x3FD9]  }
0x89: {  	s3 =	sld [smem:$0x3FFE];
	_ =	sdelay $0x1  }
0x8a: {  	s1 =	srdreg.scid  }
0x8b: {  	s0 =	sand.u32 $0x1, s1  }
0x8c: {  	s17 =	sshll.u32 s0, $0xA;
	s2 =	sadd.s32 s3, s2  }
0x8d: {  	s2 =	sadd.s32 s2, s17  }
0x8e: {  	[smem:$0x3FC4] =	sst s2  }
0x8f: {  	_ = 	snop  }
0x90: {  	s2 =	sld [smem:$0x3FC9]  }
0x91: {  	s18 =	sld [smem:$0x3FD0];
	(tm) =	ssettm $0x1  }
0x92: {  	s4 =	sld [smem:$0x3FFB];
	_ =	sdelay $0x3  }
0x93: {  	_ =	strace s4  }
0x94: {  	s4 =	sld [smem:$0x3FFC];
	_ =	sdelay $0x3  }
0x95: {  	_ =	strace s4  }
0x96: {  	s4 =	sld [smem:$0x3FFD];
	_ =	sdelay $0x3  }
0x97: {  	_ =	strace s4  }
0x98: {  	_ =	strace $0x8FFFFFFF  }
0x99: {  	s19 =	sld [smem:$0x3FDB];
	_ =	sdelay $0x1  }
0x9a: {  	s5 =	simm.s32 $_scs_section_size  }
0x9b: {  	s6 =	simm.s32 $_size__tile_overlayer_lowered;
	s7 =	simm.s32 $_tile_overlayer_lowered  }
0x9c: {  	s22 =	simm.s32 $0x1BFF;
	s21 =	sshll.u32 s7, $0x1;
	s4 =	sadd.s32 s5, s19  }
0x9d: {  	s8 =	simm.s32 $0x0;
	s20 =	sshll.u32 s6, $0x1;
	s6 =	sadd.s32 s21, s4  }
0x9e: {  	[timem:s8], [sflag:s22] =	dma.local [hbm:s6], s20  }
0x9f: {  	_ =	swait.ge [sflag:s22], s20  }
0xa0: {  	s5 =	ssub.s32 $0x0, s20;
	[sflag:s22] =	ssyncset.done $0x0  }
0xa1: {  	[sflag:s22] =	ssyncadd.s32 s5;
	_ =	sdelay $0x1  }
0xa2: {  	s23 =	simm.s32 $0x1B8B  }
0xa3: {  	_ =	swait.ge [sflag:s23], $0x1  }
0xa4: {  	[sflag:s23] =	ssyncset.done $0x0  }
0xa5: {  	s25 =	simm.s32 $0x1B8E;
	s24 =	sld [smem:$0x3FFE];
	[sflag:s23] =	ssyncadd.s32 $0xFFFFFFFF  }
0xa6: {  	s26 =	simm.s32 $execute0_lowered;
	[smem:$0x3FD2] =	sst s25  }
0xa7: {  	s6 =	sshll.u32 s26, $0x1;
	_ =	strace $0x80000046;
	[dreg:$0x1] =	wrdreg $0xFFFFFFFF  }
0xa8: {  	s28 =	simm.s32 $_size_execute0_lowered;
	s4 =	sadd.s32 s4, s6;
	[dreg:$0x0] =	wrdreg $0x0  }
0xa9: {  	s6 =	sshll.u32 s28, $0x1;
	[dreg:$0x2] =	wrdreg s4  }
0xaa: {  	[dreg:$0x3] =	wrdreg s6  }
0xab: {  	[dreg:$0x4] =	wrdreg $0xC0  }
0xac: {  	_ =	task [dreg:s8], $0x5FFFF  }
0xad: {  	[dreg:$0x1] =	wrdreg $0xFFFFFFFF  }
0xae: {  	[dreg:$0x0] =	wrdreg $0x60  }
0xaf: {  	[dreg:$0x2] =	wrdreg s24  }
0xb0: {  	[dreg:$0x3] =	wrdreg s2  }
0xb1: {  	[dreg:$0x4] =	wrdreg s18  }
0xb2: {  	[dreg:$0x5] =	wrdreg $0x150800  }
0xb3: {  	[dreg:$0x6] =	wrdreg $0x9  }
0xb4: {  	_ =	task.clear_ibuf [dreg:s8], $0x7FFFF;
	_ =	strace $0x90000046  }
0xb5: {  	s29 =	simm.s32 $0x9;
	_ =	strace $0x80000048  }
0xb6: {  	_ =	swait.ge [sflag:s29], $0x1  }
0xb7: {  	[sflag:s29] =	ssyncadd.s32 $0xFFFFFFFF  }
0xb8: {  	_ =	strace $0x90000048  }
0xb9: {  	_ =	sfence  }
0xba: {  	s30 =	sld [smem:$0x0];
	_ =	sdelay $0x2  }
0xbb: {  	s31 =	sshll.u32 s1, $0xD;
	s1 =	sshrl.u32 s1, $0x2  }
0xbc: {  	s3 =	sand.u32 $0x4000, s31;
	s1 =	sadd.s32 s1, s30  }
0xbd: {  	s0 =	sor.u32 s3, s0;
	s1 =	sshll.u32 s1, $0x11  }
0xbe: {  	s0 =	sor.u32 s1, s0  }
0xbf: {  	s0 =	sadd.s32 $0x8F2B, s0  }
0xc0: {  	[sflag:s0] =	ssyncadd.remote.s32 $0x1  }
0xc1: {  	_ =	sfence.sel $0xFFFF  }
0xc2: {  	[dreg:$0x0] =	wrdreg $0xFFFFFFFF;
	(pc) =	sbr.abs _section_cstart, $3  }
0xc3: {  	[dreg:$0x1] =	wrdreg $0xFFFFFFFF  }
0xc4: {  	_ =	task.clear_ibuf [dreg:s8], $0x2FFFF;
	_ =	strace $0x9FFFFFFF  }
0xc5: {  	(tm) =	ssettm $0x7FFFFFFF  }
tec
execute0_lowered:
.L_overlay_start_1:
0x0: {  	(tag) =	ssettag $0x1  }
0x1: {  	s5 =	rddreg [dreg:$0x0]  }
0x2: {  	s4 =	rddreg [dreg:$0x1]  }
0x3: {  	s10 =	rddreg [dreg:$0x2];
	s0 =	stileid.u32  }
0x4: {  	s1 =	srdreg.scid;
	s2 =	rddreg [dreg:$0x3];
	s3 =	simm.s32 $0x0  }
0x5: {  	s14 =	simm.s32 $0x4C80;
	s15 =	simm.s32 $0x100;
	s16 =	simm.s32 $0x8C80  }
0x6: {  	s17 =	simm.s32 $0x180;
	s18 =	simm.s32 $0xCC80;
	s19 =	simm.s32 $0x10C80  }
0x7: {  	s20 =	simm.s32 $0x1;
	s21 =	simm.s32 $0x2;
	s22 =	simm.s32 $0x0  }
0x8: {  	s6 =	sand.u32 $0x1, s1;
	s7 =	sshll.u32 s0, $0x1;
	s1 =	rddreg [dreg:$0x4]  }
0x9: {  	[smem:$0x7FF] =	sst s3;
	s8 =	sshll.u32 s0, $0x7;
	s11 =	smul.u32 $0x1900, s0  }
0xa: {  	s29 =	sshll.u32 s0, $0xA;
	p0 =	sgt.u32 s0, $0x9;
	s7 =	sor.u32 s6, s7  }
0xb: {  	_ =	strace $0x80000047;
	s8 =	sadd.s32 s8, s5;
	s9 =	ssub.s32 $0x2, s6  }
0xc: {  	s13 =	smul.u32 $0xC80, s6;
	s5 =	sadd.s32 $0xD00, s5;
	s6 =	sadd.s32 $0x2800, s2  }
0xd: {  	p1 =	sne.s32 @p0 s0, $0xA;
	s7 =	smul.u32 $0xC80, s7;
	s12 =	sshrl.u32 s9, $0x1  }
0xe: {  	p1 =	por p1, !p0;
	s9 =	ssub.s32 s9, s12;
	s28 =	sadd.s32 s13, s11  }
0xf: {  	s11 =	simm.s32 $0x3;
	s12 =	simm.s32 $0x80;
	s7 =	smin.u32 s7, $0x17A20  }
0x10: {  	s13 =	simm.s32 $0xC80;
	s30 =	smin.u32 s28, $0x17A20;
	s7 =	sshrl.u32 s7, $0x3  }
0x11: {  	s9 =	smax.u32 s9, $0x1;
	s31 =	sshll.u32 s30, $0x4;
	s4 =	sadd.s32 s4, s7  }
0x12: {  	s7 =	sadd.s32 $0x800, s8;
	s8 =	sadd.s32 s29, s2;
	s10 =	sadd.s32 s31, s10  }
.LBB2_1:
0x13: {  	[tilespmem:s3], [sflag:$0x3] =	stream.linear.gather [hbm4b:s4+s3], $0xC80, $0x38;
	[tilespmem:$0x15338] =	vst v63  }
0x14: {  	s23 =	simm.s32 @!p1 $0x0;
	s24 =	simm.s32 @!p1 $0x14C80  }
0x15: {  	[tilespmem:s24], [sflag:$0x4] =	stream.linear.gather @!p1 [hbm4b:s5+s23], $0x380, $0x38;
	[tilespmem:$0x15338] =	vst v63  }
0x16: {  	s23 =	simm.s32 @!p1 $0x4  }
0x17: {  	_ =	swait.ge @!p1 [sflag:s23], $0x380  }
0x18: {  	[sflag:s23] =	ssyncset.done @!p1 $0x0  }
0x19: {  	[sflag:s23] =	ssyncadd.s32 @!p1 $0xFFFFFC80  }
0x1a: {  	[spmem:s6] =	stream.linear.scatter @!p1 [tilespmem:s24], [sflag:$0x4], $0x380, $0x38;
	[tilespmem:$0x15338] =	vst v63  }
0x1b: {  	_ =	swait.ge @!p1 [sflag:s23], $0x380  }
0x1c: {  	[sflag:s23] =	ssyncset.done @!p1 $0x0  }
0x1d: {  	s24 =	simm.s32 @!p0 $0x14C80;
	[sflag:s23] =	ssyncadd.s32 @!p1 $0xFFFFFC80;
	s23 =	simm.s32 @!p0 $0x0  }
0x1e: {  	[tilespmem:s24], [sflag:$0x4] =	stream.linear.gather @!p0 [hbm4b:s7+s23], $0x400, $0x38;
	[tilespmem:$0x15338] =	vst v63  }
0x1f: {  	s23 =	simm.s32 @!p0 $0x4  }
0x20: {  	_ =	swait.ge @!p0 [sflag:s23], $0x400  }
0x21: {  	[sflag:s23] =	ssyncset.done @!p0 $0x0  }
0x22: {  	[sflag:s23] =	ssyncadd.s32 @!p0 $0xFFFFFC00  }
0x23: {  	[spmem:s8] =	stream.linear.scatter @!p0 [tilespmem:s24], [sflag:$0x4], $0x400, $0x38;
	[tilespmem:$0x15338] =	vst v63  }
0x24: {  	_ =	swait.ge @!p0 [sflag:s23], $0x400  }
0x25: {  	[sflag:s23] =	ssyncset.done @!p0 $0x0  }
0x26: {  	[sflag:s23] =	ssyncadd.s32 @!p0 $0xFFFFFC00  }
0x27: {  	s24 =	simm.s32 $0x0;
	[bflag:$0x0] =	sbarrier.arrive $0xFFFF  }
0x28: {  	s31 =	smul.u32 $0xCD, s24;
	_ =	swait.ge [sflag:s11], $0xC80  }
0x29: {  	[sflag:s11] =	ssyncset.done $0x0  }
0x2a: {  	s23 =	sshrl.u32 s31, $0xA;
	[sflag:s11] =	ssyncadd.s32 $0xFFFFF380  }
0x2b: {  	[tilespmem:s13], [sflag:$0x1] =	stream.indirect.gather [spmem:s2], $0x80, s3, s12, $0xb8;
	[tilespmem:$0x15338] =	vst v63  }
0x2c: {  	s25 =	sand.u32 $0x3F, s23  }
0x2d: {  	[tilespmem:s14], [sflag:$0x1] =	stream.indirect.gather [spmem:s2], $0x80, s12, s12, $0xb8;
	[tilespmem:$0x15338] =	vst v63  }
0x2e: {  	s25 =	smul.u32 $0x5, s25  }
0x2f: {  	[tilespmem:s16], [sflag:$0x1] =	stream.indirect.gather [spmem:s2], $0x80, s15, s12, $0xb8;
	[tilespmem:$0x15338] =	vst v63  }
0x30: {  	p2 =	por $0x1, $0x1;
	s26 =	ssub.s32 $0x0, s25;
	s25 =	simm.s32 $0xFFFFFFFF  }
0x31: {  	[tilespmem:s18], [sflag:$0x1] =	stream.indirect.gather [spmem:s2], $0x80, s17, s12, $0xb8;
	[tilespmem:$0x15338] =	vst v63  }
0x32: {  	s23 =	simm.s32 $0x200;
	s26 =	sand.u32 $0xFF, s26;
	s29 =	smul.u32 @!p2 $0xCD, s25  }
0x33: {  	[tilespmem:s19], [sflag:$0x1] =	stream.indirect.gather [spmem:s2], $0x80, s23, s12, $0xb8;
	[tilespmem:$0x15338] =	vst v63  }
0x34: {  	s28 =	sshll.u32 s26, $0xE;
	s26 =	smov.u32 s10;
	_ =	swait.ge [sflag:s20], $0x4000  }
.LBB2_2:
0x35: {  	[sflag:s20] =	ssyncset.done $0x0  }
0x36: {  	s28 =	sor.u32 $0xC80, s28;
	s30 =	smov.u32 s24;
	s24 =	sadd.s32 $0x1, s24  }
0x37: {  	s31 =	smul.u32 $0xCD, s24;
	[sflag:s20] =	ssyncadd.s32 $0xFFFFC000;
	s29 =	sshrl.u32 @!p2 s29, $0xA  }
0x38: {  	[hbm4b:s26+s3] =	stream.linear.scatter [tilespmem:s28], [sflag:$0x2], $0x4000, $0x38;
	[tilespmem:$0x15338] =	vst v63  }
0x39: {  	s29 =	sand.u32 @!p2 $0x3F, s29;
	s28 =	sshrl.u32 s31, $0xA;
	s31 =	simm.s32 @!p2 $0x2  }
0x3a: {  	s29 =	smul.u32 @!p2 $0x5, s29;
	s28 =	sand.u32 $0x3F, s28;
	_ =	swait.ge @!p2 [sflag:s31], $0x4000  }
0x3b: {  	p3 =	sne.s32 s24, $0x18;
	s28 =	smul.u32 $0x5, s28;
	[sflag:s31] =	ssyncset.done @!p2 $0x0  }
0x3c: {  	s29 =	ssub.s32 @!p2 s25, s29;
	s25 =	smov.u32 s30;
	[sflag:s31] =	ssyncadd.s32 @!p2 $0xFFFFC000  }
0x3d: {  	s30 =	simm.s32 @!p2 $0x80;
	s29 =	sand.u32 @!p2 $0xFF, s29;
	s28 =	ssub.s32 s24, s28  }
.Ltmp0:
0x3e: {  	s29 =	sshll.u32 @!p2 s29, $0xE;
	s28 =	sand.u32 $0xFF, s28;
	(pc) =	sbr.rel @p3 .LBB2_2-.Ltmp0, $4  }
0x3f: {  	s26 =	sadd.s32 $0x800, s26;
	s29 =	sor.u32 @!p2 $0xC80, s29;
	s28 =	sshll.u32 s28, $0xE  }
0x40: {  	[tilespmem:s29], [sflag:$0x1] =	stream.indirect.gather @!p2 [spmem:s2], $0x80, s23, s30, $0xb8;
	[tilespmem:$0x15338] =	vst v63  }
0x41: {  	p2 =	sgt.u32 s25, $0x13  }
0x42: {  	s23 =	sadd.s32 $0x80, s23;
	s29 =	smul.u32 @!p2 $0xCD, s25;
	_ =	swait.ge [sflag:s20], $0x4000  }
0x43: {  	_ = 	snop  }
0x44: {  	s24 =	sshrl.u32 @!p2 s29, $0xA  }
0x45: {  	[sflag:s20] =	ssyncset.done $0x0;
	s24 =	sand.u32 @!p2 $0x3F, s24  }
0x46: {  	s28 =	sor.u32 $0xC80, s28;
	[sflag:s20] =	ssyncadd.s32 $0xFFFFC000;
	s24 =	smul.u32 @!p2 $0x5, s24  }
0x47: {  	[hbm4b:s26+s3] =	stream.linear.scatter [tilespmem:s28], [sflag:$0x2], $0x4000, $0x38;
	[tilespmem:$0x15338] =	vst v63  }
0x48: {  	s26 =	simm.s32 @!p2 $0x2;
	s24 =	ssub.s32 @!p2 s25, s24  }
0x49: {  	_ =	swait.ge @!p2 [sflag:s26], $0x4000;
	s24 =	sand.u32 @!p2 $0xFF, s24  }
0x4a: {  	[sflag:s26] =	ssyncset.done @!p2 $0x0;
	s24 =	sshll.u32 @!p2 s24, $0xE  }
0x4b: {  	[sflag:s26] =	ssyncadd.s32 @!p2 $0xFFFFC000;
	s25 =	simm.s32 @!p2 $0x80;
	s24 =	sor.u32 @!p2 $0xC80, s24  }
0x4c: {  	[tilespmem:s24], [sflag:$0x1] =	stream.indirect.gather @!p2 [spmem:s2], $0x80, s23, s25, $0xb8;
	[tilespmem:$0x15338] =	vst v63  }
0x4d: {  	_ =	swait.ge [sflag:s21], $0x4000  }
0x4e: {  	[sflag:s21] =	ssyncset.done $0x0  }
0x4f: {  	[sflag:s21] =	ssyncadd.s32 $0xFFFFC000  }
0x50: {  	_ =	swait.ge [sflag:s21], $0x4000  }
0x51: {  	[sflag:s21] =	ssyncset.done $0x0  }
0x52: {  	[sflag:s21] =	ssyncadd.s32 $0xFFFFC000  }
0x53: {  	_ =	swait.ge [sflag:s21], $0x4000  }
0x54: {  	[sflag:s21] =	ssyncset.done $0x0  }
0x55: {  	s22 =	sadd.s32 $0x1, s22;
	[sflag:s21] =	ssyncadd.s32 $0xFFFFC000  }
0x56: {  	p2 =	sne.s32 s22, s9;
	_ =	swait.ge [sflag:s21], $0x4000  }
.Ltmp1:
0x57: {  	[sflag:s21] =	ssyncset.done $0x0;
	(pc) =	sbr.rel @p2 .LBB2_1-.Ltmp1, $4  }
0x58: {  	[sflag:s21] =	ssyncadd.s32 $0xFFFFC000  }
0x59: {  	_ =	swait.ge [sflag:s21], $0x4000  }
0x5a: {  	[sflag:s21] =	ssyncset.done $0x0  }
0x5b: {  	[sflag:s21] =	ssyncadd.s32 $0xFFFFC000  }
0x5c: {  	_ =	sfence.sel $0x180000  }
0x5d: {  	[bflag:$0x0] =	sbarrier.arrive $0xFFFF  }
0x5e: {  	p0 =	sne.s32 s0, $0x0;
	_ =	strace $0x90000047  }
0x5f: {  	s0 =	sadd.s32 @!p0 $0x100000, s1;
	[bflag:$0x2] =	sbarrier.arrive $0xFFFF  }
0x60: {  	[sflag:s0] =	ssyncadd.tile.s32 @!p0 $0x1;
	_ =	shalt  }
.Lfunc_end2:
_tile_overlayer_lowered:
.L_overlay_start_2:
0x61: {  	(tag) =	ssettag $0x2  }
0x62: {  	s0 =	rddreg [dreg:$0x0];
	s2 =	stileid.u32  }
0x63: {  	s1 =	rddreg [dreg:$0x1];
	p0 =	sne.s32 s2, $0x0  }
0x64: {  	s3 =	rddreg [dreg:$0x2];
	[bflag:$0x3] =	sbarrier.arrive $0xFFFF;
	s2 =	simm.s32 @!p0 $0x1C04  }
0x65: {  	[timem:s3], [sflag:s2] =	dma.local @!p0 [hbm:s0], s1  }
0x66: {  	s0 =	simm.s32 @!p0 $0x4  }
0x67: {  	_ =	swait.ge @!p0 [sflag:s0], s1  }
0x68: {  	s1 =	ssub.s32 @!p0 $0x0, s1;
	[sflag:s0] =	ssyncset.done @!p0 $0x0  }
0x69: {  	[sflag:s0] =	ssyncadd.s32 @!p0 s1  }
0x6a: {  	[bflag:$0x3] =	sbarrier.arrive $0xFFFF  }
0x6b: {  	_ =	shalt  }

</sc_bundles>
